<compile_context>
chip_gen: v7x
topology: tpu7x:2x2x1
jax: 0.10.2.dev20260603
libtpu: 0.0.44.dev20260713+nightly
codegen_flags: <defaults>
</compile_context>

<pallas_src>
import jax
import jax.numpy as jnp
from jax import lax
from jax.experimental import pallas as pl
from jax.experimental.pallas import tpu as pltpu
from jax.experimental.pallas import tpu_sc as plsc

N_NODES = 10000
N_EDGES = 320000
D = 128
N_GRAPHS = 64
N_CLASSES = 10

NC = 2
NS = 16
NW = NC * NS

CHUNK = 128
N_CHUNKS = N_EDGES // CHUNK
ROWS_PER_TILE = 624
ROWS_REM = N_NODES - NS * ROWS_PER_TILE

ROW_BLK = 1000
N_BLKS = N_NODES // ROW_BLK



def _sc_aggregate_body(x_hbm, src_hbm, dst_hbm, zeros_hbm, out_hbm,
                       srci, dsti, rows, acc, gsem, dsem, isem):
    cid = lax.axis_index("c")
    sid = lax.axis_index("s")
    wid = sid * NC + cid

    base_chunks = N_CHUNKS // NW
    rem = N_CHUNKS % NW
    n = jnp.where(wid < rem, base_chunks + 1, base_chunks)
    c0 = wid * base_chunks + jnp.minimum(wid, rem)
    e0 = c0 * CHUNK

    icopy = pltpu.async_copy(src_hbm.at[pl.ds(e0, base_chunks * CHUNK)],
                             srci.at[pl.ds(0, base_chunks * CHUNK)], isem)

    row0 = sid * ROWS_PER_TILE
    pltpu.sync_copy(zeros_hbm.at[pl.ds(row0, ROWS_PER_TILE)],
                    acc.at[pl.ds(row0, ROWS_PER_TILE)])

    @pl.when(sid == NS - 1)
    def _zero_rem():
        pltpu.sync_copy(zeros_hbm.at[pl.ds(NS * ROWS_PER_TILE, ROWS_REM)],
                        acc.at[pl.ds(NS * ROWS_PER_TILE, ROWS_REM)])

    icopy.wait()

    @pl.when(n > base_chunks)
    def _load_extra():
        pltpu.sync_copy(
            src_hbm.at[pl.ds(e0 + base_chunks * CHUNK, CHUNK)],
            srci.at[pl.ds(base_chunks * CHUNK, CHUNK)])

    plsc.subcore_barrier()

    def issue(j):
        slot = lax.rem(j, 2)
        pltpu.async_copy(x_hbm.at[srci.at[pl.ds(j * CHUNK, CHUNK)]],
                         rows.at[slot], gsem.at[slot])
        pltpu.async_copy(dst_hbm.at[pl.ds((c0 + j) * CHUNK, CHUNK)],
                         dsti.at[slot], dsem.at[slot])

    def wait_in(j):
        slot = lax.rem(j, 2)
        pltpu.make_async_copy(x_hbm.at[srci.at[pl.ds(j * CHUNK, CHUNK)]],
                              rows.at[slot], gsem.at[slot]).wait()
        pltpu.make_async_copy(dst_hbm.at[pl.ds((c0 + j) * CHUNK, CHUNK)],
                              dsti.at[slot], dsem.at[slot]).wait()

    issue(0)

    def body(j, carry):
        slot = lax.rem(j, 2)

        @pl.when(j + 1 < n)
        def _prefetch():
            issue(j + 1)

        wait_in(j)
        pltpu.sync_copy(rows.at[slot], acc.at[dsti.at[slot]], add=True)
        return carry

    lax.fori_loop(0, n, body, 0)
    plsc.subcore_barrier()

    pltpu.sync_copy(acc.at[pl.ds(row0, ROWS_PER_TILE)],
                    out_hbm.at[cid, pl.ds(row0, ROWS_PER_TILE)])

    @pl.when(sid == NS - 1)
    def _write_rem():
        pltpu.sync_copy(acc.at[pl.ds(NS * ROWS_PER_TILE, ROWS_REM)],
                        out_hbm.at[cid, pl.ds(NS * ROWS_PER_TILE, ROWS_REM)])


@jax.jit
def _sc_aggregate(x, src, dst, zeros):
    mesh = plsc.VectorSubcoreMesh(core_axis_name="c", subcore_axis_name="s")
    return pl.kernel(
        _sc_aggregate_body,
        out_type=jax.ShapeDtypeStruct((NC, N_NODES, D), jnp.float32),
        mesh=mesh,
        scratch_types=[
            pltpu.VMEM(((N_CHUNKS // NW + 1) * CHUNK,), jnp.int32),
            pltpu.VMEM((2, CHUNK), jnp.int32),
            pltpu.VMEM((2, CHUNK, D), jnp.float32),
            pltpu.VMEM_SHARED((N_NODES, D), jnp.float32),
            pltpu.SemaphoreType.DMA((2,)),
            pltpu.SemaphoreType.DMA((2,)),
            pltpu.SemaphoreType.DMA,
        ],
    )(x, src, dst, zeros)



def _mlp_body(s_ref, x_ref, p0_ref, p1_ref, wa_ref, ba_ref, wb_ref, bb_ref,
              o_ref):
    h = s_ref[0, 0] * x_ref[...] + p0_ref[...] + p1_ref[...]
    t = jnp.maximum(
        jnp.dot(h, wa_ref[...], preferred_element_type=jnp.float32)
        + ba_ref[...], 0.0)
    o = jnp.dot(t, wb_ref[...], preferred_element_type=jnp.float32) + bb_ref[...]
    o_ref[...] = jnp.maximum(o, 0.0)


@jax.jit
def _tc_mlp(s, x, p0, p1, wa, ba, wb, bb):
    blk = lambda r, c: pl.BlockSpec((r, c), lambda i: (i, 0))
    fixed = lambda r, c: pl.BlockSpec((r, c), lambda i: (0, 0))
    return pl.pallas_call(
        _mlp_body,
        grid=(N_BLKS,),
        in_specs=[
            pl.BlockSpec(memory_space=pltpu.SMEM),
            blk(ROW_BLK, D), blk(ROW_BLK, D), blk(ROW_BLK, D),
            fixed(D, D), fixed(1, D), fixed(D, D), fixed(1, D),
        ],
        out_specs=blk(ROW_BLK, D),
        out_shape=jax.ShapeDtypeStruct((N_NODES, D), jnp.float32),
    )(s, x, p0, p1, wa, ba, wb, bb)



def _mlp_pool_head_body(s_ref, x_ref, p0_ref, p1_ref, wa_ref, ba_ref, wb_ref,
                        bb_ref, ids_ref, wh1_ref, bh1_ref, wh2_ref, bh2_ref,
                        o_ref, pool_ref, cnt_ref):
    i = pl.program_id(0)

    @pl.when(i == 0)
    def _init():
        pool_ref[...] = jnp.zeros_like(pool_ref)
        cnt_ref[...] = jnp.zeros_like(cnt_ref)

    h = s_ref[0, 0] * x_ref[...] + p0_ref[...] + p1_ref[...]
    t = jnp.maximum(
        jnp.dot(h, wa_ref[...], preferred_element_type=jnp.float32)
        + ba_ref[...], 0.0)
    h2 = jnp.maximum(
        jnp.dot(t, wb_ref[...], preferred_element_type=jnp.float32)
        + bb_ref[...], 0.0)

    ids = ids_ref[0, 0, :]
    gids = lax.broadcasted_iota(jnp.int32, (N_GRAPHS, ROW_BLK), 0)
    onehot = (ids[None, :] == gids).astype(jnp.float32)
    pool_ref[...] += jnp.dot(onehot, h2, preferred_element_type=jnp.float32)
    cnt_ref[...] += jnp.broadcast_to(
        jnp.sum(onehot, axis=1, keepdims=True), (N_GRAPHS, D))

    @pl.when(i == N_BLKS - 1)
    def _head():
        g = pool_ref[...] / jnp.maximum(cnt_ref[...], 1.0)
        th = jnp.maximum(
            jnp.dot(g, wh1_ref[...], preferred_element_type=jnp.float32)
            + bh1_ref[...], 0.0)
        o_ref[...] = (jnp.dot(th, wh2_ref[...],
                              preferred_element_type=jnp.float32)
                      + bh2_ref[...])


@jax.jit
def _tc_mlp_pool_head(s, x, p0, p1, wa, ba, wb, bb, ids3, wh1, bh1, wh2, bh2):
    blk = lambda r, c: pl.BlockSpec((r, c), lambda i: (i, 0))
    fixed = lambda r, c: pl.BlockSpec((r, c), lambda i: (0, 0))
    return pl.pallas_call(
        _mlp_pool_head_body,
        grid=(N_BLKS,),
        in_specs=[
            pl.BlockSpec(memory_space=pltpu.SMEM),
            blk(ROW_BLK, D), blk(ROW_BLK, D), blk(ROW_BLK, D),
            fixed(D, D), fixed(1, D), fixed(D, D), fixed(1, D),
            pl.BlockSpec((1, 1, ROW_BLK), lambda i: (i, 0, 0)),
            fixed(D, D), fixed(1, D), fixed(D, N_CLASSES), fixed(1, N_CLASSES),
        ],
        out_specs=pl.BlockSpec((N_GRAPHS, N_CLASSES), lambda i: (0, 0)),
        out_shape=jax.ShapeDtypeStruct((N_GRAPHS, N_CLASSES), jnp.float32),
        scratch_shapes=[
            pltpu.VMEM((N_GRAPHS, D), jnp.float32),
            pltpu.VMEM((N_GRAPHS, D), jnp.float32),
        ],
    )(s, x, p0, p1, wa, ba, wb, bb, ids3, wh1, bh1, wh2, bh2)



def kernel(x, edge_index, batch, eps1, W1a, b1a, W1b, b1b,
           eps2, W2a, b2a, W2b, b2b, Wh1, bh1, Wh2, bh2):
    src = edge_index[0].astype(jnp.int32)
    dst = edge_index[1].astype(jnp.int32)
    ids3 = batch.astype(jnp.int32).reshape(N_BLKS, 1, ROW_BLK)
    zeros = jnp.zeros((N_NODES, D), jnp.float32)

    s1 = (1.0 + eps1).reshape(1, 1)
    s2 = (1.0 + eps2).reshape(1, 1)

    p = _sc_aggregate(x, src, dst, zeros)
    h1 = _tc_mlp(s1, x, p[0], p[1], W1a, b1a.reshape(1, D), W1b,
                 b1b.reshape(1, D))
    p2 = _sc_aggregate(h1, src, dst, zeros)
    logits = _tc_mlp_pool_head(
        s2, h1, p2[0], p2[1], W2a, b2a.reshape(1, D), W2b, b2b.reshape(1, D),
        ids3, Wh1, bh1.reshape(1, D), Wh2, bh2.reshape(1, N_CLASSES))
    return logits

# --- scband reference (transcript-rebuilt; emitter-appended) ---
"""Pipeline reference for scband-graph-classifier-59193239273687 (READ-ONLY COPY).

The authoritative reference and input builder live on the scoring server;
editing this copy changes nothing except your own understanding.
"""

import jax, jax.numpy as jnp
import numpy as np

N_NODES = 10000
N_EDGES = 320000
D_IN = 128
D_H = 128
N_CLASSES = 10
N_GRAPHS = 64


def setup_inputs(seed: int = 0) -> dict:
    key = jax.random.key(seed)
    ks = jax.random.split(key, 16)
    x = jax.random.normal(ks[0], (N_NODES, D_IN), dtype=jnp.float32)
    edge_index = jax.random.randint(ks[1], (2, N_EDGES), 0, N_NODES, dtype=jnp.int64)
    batch = jnp.sort(jax.random.randint(ks[2], (N_NODES,), 0, N_GRAPHS, dtype=jnp.int64))

    def lin(k, fan_in, fan_out):
        return jax.random.normal(k, (fan_in, fan_out), dtype=jnp.float32) * (1.0 / np.sqrt(fan_in))

    params = {
        'eps1': jnp.zeros((), dtype=jnp.float32),
        'W1a': lin(ks[3], D_IN, D_H), 'b1a': jnp.zeros((D_H,), jnp.float32),
        'W1b': lin(ks[4], D_H, D_H), 'b1b': jnp.zeros((D_H,), jnp.float32),
        'eps2': jnp.zeros((), dtype=jnp.float32),
        'W2a': lin(ks[5], D_H, D_H), 'b2a': jnp.zeros((D_H,), jnp.float32),
        'W2b': lin(ks[6], D_H, D_H), 'b2b': jnp.zeros((D_H,), jnp.float32),
        'Wh1': lin(ks[7], D_H, D_H), 'bh1': jnp.zeros((D_H,), jnp.float32),
        'Wh2': lin(ks[8], D_H, N_CLASSES), 'bh2': jnp.zeros((N_CLASSES,), jnp.float32),
    }
    out = {'x': x, 'edge_index': edge_index, 'batch': batch}
    out.update(params)
    return out


def _gin_conv(x, edge_index, eps, Wa, ba, Wb, bb):
    # PyG GINConv: out = mlp((1+eps)*x + sum_{j->i} x_j), aggregated src->dst
    src, dst = edge_index[0], edge_index[1]
    msgs = jnp.take(x, src, axis=0)                       # gather
    aggr = jax.ops.segment_sum(msgs, dst, num_segments=N_NODES)  # scatter-add
    h = (1.0 + eps) * x + aggr
    h = jnp.maximum(h @ Wa + ba, 0.0) @ Wb + bb
    return h


def reference(x, edge_index, batch, eps1, W1a, b1a, W1b, b1b,
              eps2, W2a, b2a, W2b, b2b, Wh1, bh1, Wh2, bh2):
    h = jnp.maximum(_gin_conv(x, edge_index, eps1, W1a, b1a, W1b, b1b), 0.0)
    h = jnp.maximum(_gin_conv(h, edge_index, eps2, W2a, b2a, W2b, b2b), 0.0)
    # global_mean_pool over graph ids
    sums = jax.ops.segment_sum(h, batch, num_segments=N_GRAPHS)
    counts = jax.ops.segment_sum(jnp.ones((N_NODES, 1), jnp.float32), batch, num_segments=N_GRAPHS)
    g = sums / jnp.maximum(counts, 1.0)
    logits = jnp.maximum(g @ Wh1 + bh1, 0.0) @ Wh2 + bh2
    return logits

if __name__ == "__main__":
    import jax
    _d = setup_inputs()
    print(jax.jit(kernel)(*tuple(_d.values())))

</pallas_src>

<mosaic_0001>
#map = affine_map<(d0, d1) -> (0, 0)>
#map1 = affine_map<(d0, d1) -> (0)>
#map2 = affine_map<(d0, d1) -> (0, 0, 0)>
module attributes {stable_mosaic.version = 14 : i64} {
  func.func @_sc_aggregate_body(%arg0: i32, %arg1: i32, %arg2: memref<10000x128xf32, #tpu.memory_space<hbm>>, %arg3: memref<320000xi32, #tpu.memory_space<hbm>>, %arg4: memref<320000xi32, #tpu.memory_space<hbm>>, %arg5: memref<10000x128xf32, #tpu.memory_space<hbm>>, %arg6: memref<2x10000x128xf32, #tpu.memory_space<hbm>>, %arg7: memref<10112xi32, #tpu.memory_space<vmem>>, %arg8: memref<2x128xi32, #tpu.memory_space<vmem>>, %arg9: memref<2x128x128xf32, #tpu.memory_space<vmem>>, %arg10: memref<10000x128xf32, #tpu.memory_space<vmem_shared>>, %arg11: memref<2x!tpu.dma_semaphore, #tpu.memory_space<semaphore_mem>>, %arg12: memref<2x!tpu.dma_semaphore, #tpu.memory_space<semaphore_mem>>, %arg13: memref<!tpu.dma_semaphore, #tpu.memory_space<semaphore_mem>>) attributes {dimension_semantics = [#tpu.dimension_semantics<core_parallel>, #tpu.dimension_semantics<subcore_parallel>], iteration_bounds = array<i64: 2, 16>, scalar_prefetch = 0 : i64, scratch_operands = 7 : i64, tpu.core_type = #tpu.core_type<sc_vector_subcore>, window_params = [{transform_indices = #map}, {transform_indices = #map1}, {transform_indices = #map1}, {transform_indices = #map}, {transform_indices = #map2}]} {
    %mul3A = arith.constant 2 : i32
    %mul3A_0 = arith.muli %arg1, %mul3A : i32
    %add3A = arith.addi %mul3A_0, %arg0 : i32
    %lt3A = arith.constant 4 : i32
    %lt3A_1 = arith.cmpi slt, %add3A, %lt3A : i32
    %jit3A = arith.constant 79 : i32
    %jit3A_2 = arith.constant 78 : i32
    %select_n3A = arith.select %lt3A_1, %jit3A, %jit3A_2 : i32
    %mul3A_3 = arith.constant 78 : i32
    %mul3A_4 = arith.muli %add3A, %mul3A_3 : i32
    %min3A = arith.constant 4 : i32
    %min3A_5 = arith.minsi %add3A, %min3A : i32
    %add3A_6 = arith.addi %mul3A_4, %min3A_5 : i32
    %mul3A_7 = arith.constant 128 : i32
    %mul3A_8 = arith.muli %add3A_6, %mul3A_7 : i32
    %dma_start3A = arith.constant 0 : i32
    %dma_start3A_9 = tpu.memref_slice %arg7[%dma_start3A] : memref<10112xi32, #tpu.memory_space<vmem>> -> memref<9984xi32, #tpu.memory_space<vmem>>
    %dma_start3A_10 = tpu.memref_slice %arg3[%mul3A_8] : memref<320000xi32, #tpu.memory_space<hbm>> -> memref<9984xi32, #tpu.memory_space<hbm>>
    %dma_start3A_11 = arith.constant 0 : i32
    %dma_start3A_12 = tpu.memref_slice %arg7[%dma_start3A_11] : memref<10112xi32, #tpu.memory_space<vmem>> -> memref<9984xi32, #tpu.memory_space<vmem>>
    %dma_start3A_13 = tpu.memref_slice %arg3[%mul3A_8] : memref<320000xi32, #tpu.memory_space<hbm>> -> memref<9984xi32, #tpu.memory_space<hbm>>
    tpu.enqueue_dma source(%dma_start3A_13 : memref<9984xi32, #tpu.memory_space<hbm>>) target(%dma_start3A_12 : memref<9984xi32, #tpu.memory_space<vmem>>) target_semaphore(%arg13 : memref<!tpu.dma_semaphore, #tpu.memory_space<semaphore_mem>>)
    %mul3A_14 = arith.constant 624 : i32
    %mul3A_15 = arith.muli %arg1, %mul3A_14 : i32
    "tpu.region"() ({
      %run_scoped3A = tpu.sem_alloc : memref<!tpu.dma_semaphore, #tpu.memory_space<semaphore_mem>>
      %dma_start3A_69 = arith.constant 0 : i32
      %dma_start3A_70 = tpu.memref_slice %arg10[%mul3A_15, %dma_start3A_69] : memref<10000x128xf32, #tpu.memory_space<vmem_shared>> -> memref<624x128xf32, #tpu.memory_space<vmem_shared>>
      %dma_start3A_71 = arith.constant 0 : i32
      %dma_start3A_72 = tpu.memref_slice %arg5[%mul3A_15, %dma_start3A_71] : memref<10000x128xf32, #tpu.memory_space<hbm>> -> memref<624x128xf32, #tpu.memory_space<hbm>>
      tpu.enqueue_dma source(%dma_start3A_72 : memref<624x128xf32, #tpu.memory_space<hbm>>) target(%dma_start3A_70 : memref<624x128xf32, #tpu.memory_space<vmem_shared>>) target_semaphore(%run_scoped3A : memref<!tpu.dma_semaphore, #tpu.memory_space<semaphore_mem>>)
      %dma_wait3A_73 = arith.constant 0 : i32
      %dma_wait3A_74 = tpu.memref_slice %arg10[%mul3A_15, %dma_wait3A_73] : memref<10000x128xf32, #tpu.memory_space<vmem_shared>> -> memref<624x128xf32, #tpu.memory_space<vmem_shared>>
      %dma_wait3A_75 = arith.constant 0 : i32
      %dma_wait3A_76 = tpu.memref_slice %arg5[%mul3A_15, %dma_wait3A_75] : memref<10000x128xf32, #tpu.memory_space<hbm>> -> memref<624x128xf32, #tpu.memory_space<hbm>>
      tpu.wait_dma2 semaphore(%run_scoped3A : memref<!tpu.dma_semaphore, #tpu.memory_space<semaphore_mem>>) src(%dma_wait3A_76 : memref<624x128xf32, #tpu.memory_space<hbm>>) dst(%dma_wait3A_74 : memref<624x128xf32, #tpu.memory_space<vmem_shared>>)
      tpu.yield
    }) : () -> ()
    %eq3A = arith.constant 15 : i32
    %eq3A_16 = arith.cmpi eq, %arg1, %eq3A : i32
    %convert_element_type3A = arith.extui %eq3A_16 : i1 to i32
    %cond3A = arith.constant 0 : i32
    %cond3A_17 = arith.cmpi ne, %convert_element_type3A, %cond3A : i32
    scf.if %cond3A_17 {
      "tpu.region"() ({
        %run_scoped3A = tpu.sem_alloc : memref<!tpu.dma_semaphore, #tpu.memory_space<semaphore_mem>>
        %dma_start3A_69 = arith.constant 9984 : i32
        %dma_start3A_70 = arith.constant 0 : i32
        %dma_start3A_71 = tpu.memref_slice %arg10[%dma_start3A_69, %dma_start3A_70] : memref<10000x128xf32, #tpu.memory_space<vmem_shared>> -> memref<16x128xf32, #tpu.memory_space<vmem_shared>>
        %dma_start3A_72 = arith.constant 9984 : i32
        %dma_start3A_73 = arith.constant 0 : i32
        %dma_start3A_74 = tpu.memref_slice %arg5[%dma_start3A_72, %dma_start3A_73] : memref<10000x128xf32, #tpu.memory_space<hbm>> -> memref<16x128xf32, #tpu.memory_space<hbm>>
        tpu.enqueue_dma source(%dma_start3A_74 : memref<16x128xf32, #tpu.memory_space<hbm>>) target(%dma_start3A_71 : memref<16x128xf32, #tpu.memory_space<vmem_shared>>) target_semaphore(%run_scoped3A : memref<!tpu.dma_semaphore, #tpu.memory_space<semaphore_mem>>)
        %dma_wait3A_75 = arith.constant 9984 : i32
        %dma_wait3A_76 = arith.constant 0 : i32
        %dma_wait3A_77 = tpu.memref_slice %arg10[%dma_wait3A_75, %dma_wait3A_76] : memref<10000x128xf32, #tpu.memory_space<vmem_shared>> -> memref<16x128xf32, #tpu.memory_space<vmem_shared>>
        %dma_wait3A_78 = arith.constant 9984 : i32
        %dma_wait3A_79 = arith.constant 0 : i32
        %dma_wait3A_80 = tpu.memref_slice %arg5[%dma_wait3A_78, %dma_wait3A_79] : memref<10000x128xf32, #tpu.memory_space<hbm>> -> memref<16x128xf32, #tpu.memory_space<hbm>>
        tpu.wait_dma2 semaphore(%run_scoped3A : memref<!tpu.dma_semaphore, #tpu.memory_space<semaphore_mem>>) src(%dma_wait3A_80 : memref<16x128xf32, #tpu.memory_space<hbm>>) dst(%dma_wait3A_77 : memref<16x128xf32, #tpu.memory_space<vmem_shared>>)
        tpu.yield
      }) : () -> ()
    } else {
    }
    %dma_wait3A = arith.constant 0 : i32
    %dma_wait3A_18 = tpu.memref_slice %arg7[%dma_wait3A] : memref<10112xi32, #tpu.memory_space<vmem>> -> memref<9984xi32, #tpu.memory_space<vmem>>
    %dma_wait3A_19 = tpu.memref_slice %arg3[%mul3A_8] : memref<320000xi32, #tpu.memory_space<hbm>> -> memref<9984xi32, #tpu.memory_space<hbm>>
    %dma_wait3A_20 = arith.constant 0 : i32
    %dma_wait3A_21 = tpu.memref_slice %arg7[%dma_wait3A_20] : memref<10112xi32, #tpu.memory_space<vmem>> -> memref<9984xi32, #tpu.memory_space<vmem>>
    %dma_wait3A_22 = tpu.memref_slice %arg3[%mul3A_8] : memref<320000xi32, #tpu.memory_space<hbm>> -> memref<9984xi32, #tpu.memory_space<hbm>>
    tpu.wait_dma2 semaphore(%arg13 : memref<!tpu.dma_semaphore, #tpu.memory_space<semaphore_mem>>) src(%dma_wait3A_22 : memref<9984xi32, #tpu.memory_space<hbm>>) dst(%dma_wait3A_21 : memref<9984xi32, #tpu.memory_space<vmem>>)
    %gt3A = arith.constant 78 : i32
    %gt3A_23 = arith.cmpi sgt, %select_n3A, %gt3A : i32
    %convert_element_type3A_24 = arith.extui %gt3A_23 : i1 to i32
    %cond3A_25 = arith.constant 0 : i32
    %cond3A_26 = arith.cmpi ne, %convert_element_type3A_24, %cond3A_25 : i32
    scf.if %cond3A_26 {
      %add3A_69 = arith.constant 9984 : i32
      %add3A_70 = arith.addi %mul3A_8, %add3A_69 : i32
      "tpu.region"() ({
        %run_scoped3A = tpu.sem_alloc : memref<!tpu.dma_semaphore, #tpu.memory_space<semaphore_mem>>
        %dma_start3A_71 = arith.constant 9984 : i32
        %dma_start3A_72 = tpu.memref_slice %arg7[%dma_start3A_71] : memref<10112xi32, #tpu.memory_space<vmem>> -> memref<128xi32, #tpu.memory_space<vmem>>
        %dma_start3A_73 = tpu.memref_slice %arg3[%add3A_70] : memref<320000xi32, #tpu.memory_space<hbm>> -> memref<128xi32, #tpu.memory_space<hbm>>
        %dma_start3A_74 = arith.constant 9984 : i32
        %dma_start3A_75 = tpu.memref_slice %arg7[%dma_start3A_74] : memref<10112xi32, #tpu.memory_space<vmem>> -> memref<128xi32, #tpu.memory_space<vmem>>
        %dma_start3A_76 = tpu.memref_slice %arg3[%add3A_70] : memref<320000xi32, #tpu.memory_space<hbm>> -> memref<128xi32, #tpu.memory_space<hbm>>
        tpu.enqueue_dma source(%dma_start3A_76 : memref<128xi32, #tpu.memory_space<hbm>>) target(%dma_start3A_75 : memref<128xi32, #tpu.memory_space<vmem>>) target_semaphore(%run_scoped3A : memref<!tpu.dma_semaphore, #tpu.memory_space<semaphore_mem>>)
        %dma_wait3A_77 = arith.constant 9984 : i32
        %dma_wait3A_78 = tpu.memref_slice %arg7[%dma_wait3A_77] : memref<10112xi32, #tpu.memory_space<vmem>> -> memref<128xi32, #tpu.memory_space<vmem>>
        %dma_wait3A_79 = tpu.memref_slice %arg3[%add3A_70] : memref<320000xi32, #tpu.memory_space<hbm>> -> memref<128xi32, #tpu.memory_space<hbm>>
        %dma_wait3A_80 = arith.constant 9984 : i32
        %dma_wait3A_81 = tpu.memref_slice %arg7[%dma_wait3A_80] : memref<10112xi32, #tpu.memory_space<vmem>> -> memref<128xi32, #tpu.memory_space<vmem>>
        %dma_wait3A_82 = tpu.memref_slice %arg3[%add3A_70] : memref<320000xi32, #tpu.memory_space<hbm>> -> memref<128xi32, #tpu.memory_space<hbm>>
        tpu.wait_dma2 semaphore(%run_scoped3A : memref<!tpu.dma_semaphore, #tpu.memory_space<semaphore_mem>>) src(%dma_wait3A_82 : memref<128xi32, #tpu.memory_space<hbm>>) dst(%dma_wait3A_81 : memref<128xi32, #tpu.memory_space<vmem>>)
        tpu.yield
      }) : () -> ()
    } else {
    }
    %barrier3A = arith.constant 0 : index
    tpu.barrier barrier_id(%barrier3A)
    %rem3A = arith.constant 0 : i32
    %rem3A_27 = arith.constant 2 : i32
    %rem3A_28 = arith.remsi %rem3A, %rem3A_27 : i32
    %dma_start3A_29 = arith.constant 0 : i32
    %dma_start3A_30 = arith.constant 0 : i32
    %dma_start3A_31 = tpu.memref_slice %arg9[%rem3A_28, %dma_start3A_29, %dma_start3A_30] : memref<2x128x128xf32, #tpu.memory_space<vmem>> -> memref<1x128x128xf32, #tpu.memory_space<vmem>>
    %dma_start3A_32 = tpu.memref_squeeze %dma_start3A_31 : memref<1x128x128xf32, #tpu.memory_space<vmem>> -> memref<128x128xf32, #tpu.memory_space<vmem>>
    %dma_start3A_33 = arith.constant 0 : i32
    %dma_start3A_34 = tpu.memref_slice %arg7[%dma_start3A_33] : memref<10112xi32, #tpu.memory_space<vmem>> -> memref<128xi32, #tpu.memory_space<vmem>>
    %dma_start3A_35 = arith.constant 0 : i32
    %dma_start3A_36 = arith.constant 0 : i32
    %dma_start3A_37 = tpu.memref_slice %arg2[%dma_start3A_35, %dma_start3A_36] : memref<10000x128xf32, #tpu.memory_space<hbm>> -> memref<10000x128xf32, #tpu.memory_space<hbm>>
    %dma_start3A_38 = tpu.memref_slice %arg11[%rem3A_28] : memref<2x!tpu.dma_semaphore, #tpu.memory_space<semaphore_mem>> -> memref<1x!tpu.dma_semaphore, #tpu.memory_space<semaphore_mem>>
    %dma_start3A_39 = tpu.memref_squeeze %dma_start3A_38 : memref<1x!tpu.dma_semaphore, #tpu.memory_space<semaphore_mem>> -> memref<!tpu.dma_semaphore, #tpu.memory_space<semaphore_mem>>
    tpu.enqueue_indirect_dma source(%dma_start3A_37 : memref<10000x128xf32, #tpu.memory_space<hbm>>) target(%dma_start3A_32 : memref<128x128xf32, #tpu.memory_space<vmem>>) offsets(%dma_start3A_34 : memref<128xi32, #tpu.memory_space<vmem>>) semaphore(%dma_start3A_39 : memref<!tpu.dma_semaphore, #tpu.memory_space<semaphore_mem>>)
    %add3A_40 = arith.constant 0 : i32
    %add3A_41 = arith.addi %add3A_6, %add3A_40 : i32
    %mul3A_42 = arith.constant 128 : i32
    %mul3A_43 = arith.muli %add3A_41, %mul3A_42 : i32
    %dma_start3A_44 = arith.constant 0 : i32
    %dma_start3A_45 = tpu.memref_slice %arg8[%rem3A_28, %dma_start3A_44] : memref<2x128xi32, #tpu.memory_space<vmem>> -> memref<1x128xi32, #tpu.memory_space<vmem>>
    %dma_start3A_46 = tpu.memref_squeeze %dma_start3A_45 : memref<1x128xi32, #tpu.memory_space<vmem>> -> memref<128xi32, #tpu.memory_space<vmem>>
    %dma_start3A_47 = tpu.memref_slice %arg4[%mul3A_43] : memref<320000xi32, #tpu.memory_space<hbm>> -> memref<128xi32, #tpu.memory_space<hbm>>
    %dma_start3A_48 = tpu.memref_slice %arg12[%rem3A_28] : memref<2x!tpu.dma_semaphore, #tpu.memory_space<semaphore_mem>> -> memref<1x!tpu.dma_semaphore, #tpu.memory_space<semaphore_mem>>
    %dma_start3A_49 = tpu.memref_squeeze %dma_start3A_48 : memref<1x!tpu.dma_semaphore, #tpu.memory_space<semaphore_mem>> -> memref<!tpu.dma_semaphore, #tpu.memory_space<semaphore_mem>>
    %dma_start3A_50 = arith.constant 0 : i32
    %dma_start3A_51 = tpu.memref_slice %arg8[%rem3A_28, %dma_start3A_50] : memref<2x128xi32, #tpu.memory_space<vmem>> -> memref<1x128xi32, #tpu.memory_space<vmem>>
    %dma_start3A_52 = tpu.memref_squeeze %dma_start3A_51 : memref<1x128xi32, #tpu.memory_space<vmem>> -> memref<128xi32, #tpu.memory_space<vmem>>
    %dma_start3A_53 = tpu.memref_slice %arg4[%mul3A_43] : memref<320000xi32, #tpu.memory_space<hbm>> -> memref<128xi32, #tpu.memory_space<hbm>>
    tpu.enqueue_dma source(%dma_start3A_53 : memref<128xi32, #tpu.memory_space<hbm>>) target(%dma_start3A_52 : memref<128xi32, #tpu.memory_space<vmem>>) target_semaphore(%dma_start3A_49 : memref<!tpu.dma_semaphore, #tpu.memory_space<semaphore_mem>>)
    %while3A = arith.constant 0 : i32
    %while3A_54 = arith.constant 0 : i32
    %while3A_55 = arith.subi %select_n3A, %while3A_54 : i32
    %while3A_56 = arith.addi %while3A_54, %while3A_55 : i32
    %while3A_57 = arith.constant 1 : i32
    %while3A_58 = arith.divsi %while3A_55, %while3A_57 : i32
    %while3A_59 = arith.muli %while3A_58, %while3A_57 : i32
    %while3A_60 = arith.addi %while3A_54, %while3A_59 : i32
    %while3A_61 = arith.constant 1 : i32
    scf.for %while3A_69 = %while3A_54 to %while3A_60 step %while3A_61  : i32 {
      %rem3A_70 = arith.constant 2 : i32
      %rem3A_71 = arith.remsi %while3A_69, %rem3A_70 : i32
      %add3A_72 = arith.constant 1 : i32
      %add3A_73 = arith.addi %while3A_69, %add3A_72 : i32
      %lt3A_74 = arith.cmpi slt, %add3A_73, %select_n3A : i32
      %convert_element_type3A_75 = arith.extui %lt3A_74 : i1 to i32
      %cond3A_76 = arith.constant 0 : i32
      %cond3A_77 = arith.cmpi ne, %convert_element_type3A_75, %cond3A_76 : i32
      scf.if %cond3A_77 {
        %add3A_105 = arith.constant 1 : i32
        %add3A_106 = arith.addi %while3A_69, %add3A_105 : i32
        %rem3A_107 = arith.constant 2 : i32
        %rem3A_108 = arith.remsi %add3A_106, %rem3A_107 : i32
        %mul3A_109 = arith.constant 128 : i32
        %mul3A_110 = arith.muli %add3A_106, %mul3A_109 : i32
        %dma_start3A_111 = arith.constant 0 : i32
        %dma_start3A_112 = arith.constant 0 : i32
        %dma_start3A_113 = tpu.memref_slice %arg9[%rem3A_108, %dma_start3A_111, %dma_start3A_112] : memref<2x128x128xf32, #tpu.memory_space<vmem>> -> memref<1x128x128xf32, #tpu.memory_space<vmem>>
        %dma_start3A_114 = tpu.memref_squeeze %dma_start3A_113 : memref<1x128x128xf32, #tpu.memory_space<vmem>> -> memref<128x128xf32, #tpu.memory_space<vmem>>
        %dma_start3A_115 = tpu.memref_slice %arg7[%mul3A_110] : memref<10112xi32, #tpu.memory_space<vmem>> -> memref<128xi32, #tpu.memory_space<vmem>>
        %dma_start3A_116 = arith.constant 0 : i32
        %dma_start3A_117 = arith.constant 0 : i32
        %dma_start3A_118 = tpu.memref_slice %arg2[%dma_start3A_116, %dma_start3A_117] : memref<10000x128xf32, #tpu.memory_space<hbm>> -> memref<10000x128xf32, #tpu.memory_space<hbm>>
        %dma_start3A_119 = tpu.memref_slice %arg11[%rem3A_108] : memref<2x!tpu.dma_semaphore, #tpu.memory_space<semaphore_mem>> -> memref<1x!tpu.dma_semaphore, #tpu.memory_space<semaphore_mem>>
        %dma_start3A_120 = tpu.memref_squeeze %dma_start3A_119 : memref<1x!tpu.dma_semaphore, #tpu.memory_space<semaphore_mem>> -> memref<!tpu.dma_semaphore, #tpu.memory_space<semaphore_mem>>
        tpu.enqueue_indirect_dma source(%dma_start3A_118 : memref<10000x128xf32, #tpu.memory_space<hbm>>) target(%dma_start3A_114 : memref<128x128xf32, #tpu.memory_space<vmem>>) offsets(%dma_start3A_115 : memref<128xi32, #tpu.memory_space<vmem>>) semaphore(%dma_start3A_120 : memref<!tpu.dma_semaphore, #tpu.memory_space<semaphore_mem>>)
        %add3A_121 = arith.addi %add3A_6, %add3A_106 : i32
        %mul3A_122 = arith.constant 128 : i32
        %mul3A_123 = arith.muli %add3A_121, %mul3A_122 : i32
        %dma_start3A_124 = arith.constant 0 : i32
        %dma_start3A_125 = tpu.memref_slice %arg8[%rem3A_108, %dma_start3A_124] : memref<2x128xi32, #tpu.memory_space<vmem>> -> memref<1x128xi32, #tpu.memory_space<vmem>>
        %dma_start3A_126 = tpu.memref_squeeze %dma_start3A_125 : memref<1x128xi32, #tpu.memory_space<vmem>> -> memref<128xi32, #tpu.memory_space<vmem>>
        %dma_start3A_127 = tpu.memref_slice %arg4[%mul3A_123] : memref<320000xi32, #tpu.memory_space<hbm>> -> memref<128xi32, #tpu.memory_space<hbm>>
        %dma_start3A_128 = tpu.memref_slice %arg12[%rem3A_108] : memref<2x!tpu.dma_semaphore, #tpu.memory_space<semaphore_mem>> -> memref<1x!tpu.dma_semaphore, #tpu.memory_space<semaphore_mem>>
        %dma_start3A_129 = tpu.memref_squeeze %dma_start3A_128 : memref<1x!tpu.dma_semaphore, #tpu.memory_space<semaphore_mem>> -> memref<!tpu.dma_semaphore, #tpu.memory_space<semaphore_mem>>
        %dma_start3A_130 = arith.constant 0 : i32
        %dma_start3A_131 = tpu.memref_slice %arg8[%rem3A_108, %dma_start3A_130] : memref<2x128xi32, #tpu.memory_space<vmem>> -> memref<1x128xi32, #tpu.memory_space<vmem>>
        %dma_start3A_132 = tpu.memref_squeeze %dma_start3A_131 : memref<1x128xi32, #tpu.memory_space<vmem>> -> memref<128xi32, #tpu.memory_space<vmem>>
        %dma_start3A_133 = tpu.memref_slice %arg4[%mul3A_123] : memref<320000xi32, #tpu.memory_space<hbm>> -> memref<128xi32, #tpu.memory_space<hbm>>
        tpu.enqueue_dma source(%dma_start3A_133 : memref<128xi32, #tpu.memory_space<hbm>>) target(%dma_start3A_132 : memref<128xi32, #tpu.memory_space<vmem>>) target_semaphore(%dma_start3A_129 : memref<!tpu.dma_semaphore, #tpu.memory_space<semaphore_mem>>)
      } else {
      }
      %rem3A_78 = arith.constant 2 : i32
      %rem3A_79 = arith.remsi %while3A_69, %rem3A_78 : i32
      %mul3A_80 = arith.constant 128 : i32
      %mul3A_81 = arith.muli %while3A_69, %mul3A_80 : i32
      %dma_wait3A_82 = arith.constant 0 : i32
      %dma_wait3A_83 = arith.constant 0 : i32
      %dma_wait3A_84 = tpu.memref_slice %arg9[%rem3A_79, %dma_wait3A_82, %dma_wait3A_83] : memref<2x128x128xf32, #tpu.memory_space<vmem>> -> memref<1x128x128xf32, #tpu.memory_space<vmem>>
      %dma_wait3A_85 = tpu.memref_squeeze %dma_wait3A_84 : memref<1x128x128xf32, #tpu.memory_space<vmem>> -> memref<128x128xf32, #tpu.memory_space<vmem>>
      %dma_wait3A_86 = tpu.memref_slice %arg7[%mul3A_81] : memref<10112xi32, #tpu.memory_space<vmem>> -> memref<128xi32, #tpu.memory_space<vmem>>
      %dma_wait3A_87 = arith.constant 0 : i32
      %dma_wait3A_88 = arith.constant 0 : i32
      %dma_wait3A_89 = tpu.memref_slice %arg2[%dma_wait3A_87, %dma_wait3A_88] : memref<10000x128xf32, #tpu.memory_space<hbm>> -> memref<10000x128xf32, #tpu.memory_space<hbm>>
      %dma_wait3A_90 = tpu.memref_slice %arg11[%rem3A_79] : memref<2x!tpu.dma_semaphore, #tpu.memory_space<semaphore_mem>> -> memref<1x!tpu.dma_semaphore, #tpu.memory_space<semaphore_mem>>
      %dma_wait3A_91 = tpu.memref_squeeze %dma_wait3A_90 : memref<1x!tpu.dma_semaphore, #tpu.memory_space<semaphore_mem>> -> memref<!tpu.dma_semaphore, #tpu.memory_space<semaphore_mem>>
      tpu.wait_indirect_dma semaphore(%dma_wait3A_91 : memref<!tpu.dma_semaphore, #tpu.memory_space<semaphore_mem>>) src(%dma_wait3A_89 : memref<10000x128xf32, #tpu.memory_space<hbm>>) dst(%dma_wait3A_85 : memref<128x128xf32, #tpu.memory_space<vmem>>)
      %add3A_92 = arith.addi %add3A_6, %while3A_69 : i32
      %mul3A_93 = arith.constant 128 : i32
      %mul3A_94 = arith.muli %add3A_92, %mul3A_93 : i32
      %dma_wait3A_95 = arith.constant 0 : i32
      %dma_wait3A_96 = tpu.memref_slice %arg8[%rem3A_79, %dma_wait3A_95] : memref<2x128xi32, #tpu.memory_space<vmem>> -> memref<1x128xi32, #tpu.memory_space<vmem>>
      %dma_wait3A_97 = tpu.memref_squeeze %dma_wait3A_96 : memref<1x128xi32, #tpu.memory_space<vmem>> -> memref<128xi32, #tpu.memory_space<vmem>>
      %dma_wait3A_98 = tpu.memref_slice %arg4[%mul3A_94] : memref<320000xi32, #tpu.memory_space<hbm>> -> memref<128xi32, #tpu.memory_space<hbm>>
      %dma_wait3A_99 = tpu.memref_slice %arg12[%rem3A_79] : memref<2x!tpu.dma_semaphore, #tpu.memory_space<semaphore_mem>> -> memref<1x!tpu.dma_semaphore, #tpu.memory_space<semaphore_mem>>
      %dma_wait3A_100 = tpu.memref_squeeze %dma_wait3A_99 : memref<1x!tpu.dma_semaphore, #tpu.memory_space<semaphore_mem>> -> memref<!tpu.dma_semaphore, #tpu.memory_space<semaphore_mem>>
      %dma_wait3A_101 = arith.constant 0 : i32
      %dma_wait3A_102 = tpu.memref_slice %arg8[%rem3A_79, %dma_wait3A_101] : memref<2x128xi32, #tpu.memory_space<vmem>> -> memref<1x128xi32, #tpu.memory_space<vmem>>
      %dma_wait3A_103 = tpu.memref_squeeze %dma_wait3A_102 : memref<1x128xi32, #tpu.memory_space<vmem>> -> memref<128xi32, #tpu.memory_space<vmem>>
      %dma_wait3A_104 = tpu.memref_slice %arg4[%mul3A_94] : memref<320000xi32, #tpu.memory_space<hbm>> -> memref<128xi32, #tpu.memory_space<hbm>>
      tpu.wait_dma2 semaphore(%dma_wait3A_100 : memref<!tpu.dma_semaphore, #tpu.memory_space<semaphore_mem>>) src(%dma_wait3A_104 : memref<128xi32, #tpu.memory_space<hbm>>) dst(%dma_wait3A_103 : memref<128xi32, #tpu.memory_space<vmem>>)
      "tpu.region"() ({
        %run_scoped3A = tpu.sem_alloc : memref<!tpu.dma_semaphore, #tpu.memory_space<semaphore_mem>>
        %dma_start3A_105 = arith.constant 0 : i32
        %dma_start3A_106 = arith.constant 0 : i32
        %dma_start3A_107 = tpu.memref_slice %arg9[%rem3A_71, %dma_start3A_105, %dma_start3A_106] : memref<2x128x128xf32, #tpu.memory_space<vmem>> -> memref<1x128x128xf32, #tpu.memory_space<vmem>>
        %dma_start3A_108 = tpu.memref_squeeze %dma_start3A_107 : memref<1x128x128xf32, #tpu.memory_space<vmem>> -> memref<128x128xf32, #tpu.memory_space<vmem>>
        %dma_start3A_109 = arith.constant 0 : i32
        %dma_start3A_110 = tpu.memref_slice %arg8[%rem3A_71, %dma_start3A_109] : memref<2x128xi32, #tpu.memory_space<vmem>> -> memref<1x128xi32, #tpu.memory_space<vmem>>
        %dma_start3A_111 = tpu.memref_squeeze %dma_start3A_110 : memref<1x128xi32, #tpu.memory_space<vmem>> -> memref<128xi32, #tpu.memory_space<vmem>>
        %dma_start3A_112 = arith.constant 0 : i32
        %dma_start3A_113 = arith.constant 0 : i32
        %dma_start3A_114 = tpu.memref_slice %arg10[%dma_start3A_112, %dma_start3A_113] : memref<10000x128xf32, #tpu.memory_space<vmem_shared>> -> memref<10000x128xf32, #tpu.memory_space<vmem_shared>>
        tpu.enqueue_indirect_dma source(%dma_start3A_108 : memref<128x128xf32, #tpu.memory_space<vmem>>) target(%dma_start3A_114 : memref<10000x128xf32, #tpu.memory_space<vmem_shared>>) offsets(%dma_start3A_111 : memref<128xi32, #tpu.memory_space<vmem>>) semaphore(%run_scoped3A : memref<!tpu.dma_semaphore, #tpu.memory_space<semaphore_mem>>) {add = true}
        %dma_wait3A_115 = arith.constant 0 : i32
        %dma_wait3A_116 = arith.constant 0 : i32
        %dma_wait3A_117 = tpu.memref_slice %arg9[%rem3A_71, %dma_wait3A_115, %dma_wait3A_116] : memref<2x128x128xf32, #tpu.memory_space<vmem>> -> memref<1x128x128xf32, #tpu.memory_space<vmem>>
        %dma_wait3A_118 = tpu.memref_squeeze %dma_wait3A_117 : memref<1x128x128xf32, #tpu.memory_space<vmem>> -> memref<128x128xf32, #tpu.memory_space<vmem>>
        %dma_wait3A_119 = arith.constant 0 : i32
        %dma_wait3A_120 = tpu.memref_slice %arg8[%rem3A_71, %dma_wait3A_119] : memref<2x128xi32, #tpu.memory_space<vmem>> -> memref<1x128xi32, #tpu.memory_space<vmem>>
        %dma_wait3A_121 = tpu.memref_squeeze %dma_wait3A_120 : memref<1x128xi32, #tpu.memory_space<vmem>> -> memref<128xi32, #tpu.memory_space<vmem>>
        %dma_wait3A_122 = arith.constant 0 : i32
        %dma_wait3A_123 = arith.constant 0 : i32
        %dma_wait3A_124 = tpu.memref_slice %arg10[%dma_wait3A_122, %dma_wait3A_123] : memref<10000x128xf32, #tpu.memory_space<vmem_shared>> -> memref<10000x128xf32, #tpu.memory_space<vmem_shared>>
        tpu.wait_indirect_dma semaphore(%run_scoped3A : memref<!tpu.dma_semaphore, #tpu.memory_space<semaphore_mem>>) src(%dma_wait3A_118 : memref<128x128xf32, #tpu.memory_space<vmem>>) dst(%dma_wait3A_124 : memref<10000x128xf32, #tpu.memory_space<vmem_shared>>)
        tpu.yield
      }) : () -> ()
    }
    %while3A_62 = arith.constant 1 : i32
    scf.for %while3A_69 = %while3A_60 to %while3A_56 step %while3A_62  : i32 {
      %rem3A_70 = arith.constant 2 : i32
      %rem3A_71 = arith.remsi %while3A_69, %rem3A_70 : i32
      %add3A_72 = arith.constant 1 : i32
      %add3A_73 = arith.addi %while3A_69, %add3A_72 : i32
      %lt3A_74 = arith.cmpi slt, %add3A_73, %select_n3A : i32
      %convert_element_type3A_75 = arith.extui %lt3A_74 : i1 to i32
      %cond3A_76 = arith.constant 0 : i32
      %cond3A_77 = arith.cmpi ne, %convert_element_type3A_75, %cond3A_76 : i32
      scf.if %cond3A_77 {
        %add3A_105 = arith.constant 1 : i32
        %add3A_106 = arith.addi %while3A_69, %add3A_105 : i32
        %rem3A_107 = arith.constant 2 : i32
        %rem3A_108 = arith.remsi %add3A_106, %rem3A_107 : i32
        %mul3A_109 = arith.constant 128 : i32
        %mul3A_110 = arith.muli %add3A_106, %mul3A_109 : i32
        %dma_start3A_111 = arith.constant 0 : i32
        %dma_start3A_112 = arith.constant 0 : i32
        %dma_start3A_113 = tpu.memref_slice %arg9[%rem3A_108, %dma_start3A_111, %dma_start3A_112] : memref<2x128x128xf32, #tpu.memory_space<vmem>> -> memref<1x128x128xf32, #tpu.memory_space<vmem>>
        %dma_start3A_114 = tpu.memref_squeeze %dma_start3A_113 : memref<1x128x128xf32, #tpu.memory_space<vmem>> -> memref<128x128xf32, #tpu.memory_space<vmem>>
        %dma_start3A_115 = tpu.memref_slice %arg7[%mul3A_110] : memref<10112xi32, #tpu.memory_space<vmem>> -> memref<128xi32, #tpu.memory_space<vmem>>
        %dma_start3A_116 = arith.constant 0 : i32
        %dma_start3A_117 = arith.constant 0 : i32
        %dma_start3A_118 = tpu.memref_slice %arg2[%dma_start3A_116, %dma_start3A_117] : memref<10000x128xf32, #tpu.memory_space<hbm>> -> memref<10000x128xf32, #tpu.memory_space<hbm>>
        %dma_start3A_119 = tpu.memref_slice %arg11[%rem3A_108] : memref<2x!tpu.dma_semaphore, #tpu.memory_space<semaphore_mem>> -> memref<1x!tpu.dma_semaphore, #tpu.memory_space<semaphore_mem>>
        %dma_start3A_120 = tpu.memref_squeeze %dma_start3A_119 : memref<1x!tpu.dma_semaphore, #tpu.memory_space<semaphore_mem>> -> memref<!tpu.dma_semaphore, #tpu.memory_space<semaphore_mem>>
        tpu.enqueue_indirect_dma source(%dma_start3A_118 : memref<10000x128xf32, #tpu.memory_space<hbm>>) target(%dma_start3A_114 : memref<128x128xf32, #tpu.memory_space<vmem>>) offsets(%dma_start3A_115 : memref<128xi32, #tpu.memory_space<vmem>>) semaphore(%dma_start3A_120 : memref<!tpu.dma_semaphore, #tpu.memory_space<semaphore_mem>>)
        %add3A_121 = arith.addi %add3A_6, %add3A_106 : i32
        %mul3A_122 = arith.constant 128 : i32
        %mul3A_123 = arith.muli %add3A_121, %mul3A_122 : i32
        %dma_start3A_124 = arith.constant 0 : i32
        %dma_start3A_125 = tpu.memref_slice %arg8[%rem3A_108, %dma_start3A_124] : memref<2x128xi32, #tpu.memory_space<vmem>> -> memref<1x128xi32, #tpu.memory_space<vmem>>
        %dma_start3A_126 = tpu.memref_squeeze %dma_start3A_125 : memref<1x128xi32, #tpu.memory_space<vmem>> -> memref<128xi32, #tpu.memory_space<vmem>>
        %dma_start3A_127 = tpu.memref_slice %arg4[%mul3A_123] : memref<320000xi32, #tpu.memory_space<hbm>> -> memref<128xi32, #tpu.memory_space<hbm>>
        %dma_start3A_128 = tpu.memref_slice %arg12[%rem3A_108] : memref<2x!tpu.dma_semaphore, #tpu.memory_space<semaphore_mem>> -> memref<1x!tpu.dma_semaphore, #tpu.memory_space<semaphore_mem>>
        %dma_start3A_129 = tpu.memref_squeeze %dma_start3A_128 : memref<1x!tpu.dma_semaphore, #tpu.memory_space<semaphore_mem>> -> memref<!tpu.dma_semaphore, #tpu.memory_space<semaphore_mem>>
        %dma_start3A_130 = arith.constant 0 : i32
        %dma_start3A_131 = tpu.memref_slice %arg8[%rem3A_108, %dma_start3A_130] : memref<2x128xi32, #tpu.memory_space<vmem>> -> memref<1x128xi32, #tpu.memory_space<vmem>>
        %dma_start3A_132 = tpu.memref_squeeze %dma_start3A_131 : memref<1x128xi32, #tpu.memory_space<vmem>> -> memref<128xi32, #tpu.memory_space<vmem>>
        %dma_start3A_133 = tpu.memref_slice %arg4[%mul3A_123] : memref<320000xi32, #tpu.memory_space<hbm>> -> memref<128xi32, #tpu.memory_space<hbm>>
        tpu.enqueue_dma source(%dma_start3A_133 : memref<128xi32, #tpu.memory_space<hbm>>) target(%dma_start3A_132 : memref<128xi32, #tpu.memory_space<vmem>>) target_semaphore(%dma_start3A_129 : memref<!tpu.dma_semaphore, #tpu.memory_space<semaphore_mem>>)
      } else {
      }
      %rem3A_78 = arith.constant 2 : i32
      %rem3A_79 = arith.remsi %while3A_69, %rem3A_78 : i32
      %mul3A_80 = arith.constant 128 : i32
      %mul3A_81 = arith.muli %while3A_69, %mul3A_80 : i32
      %dma_wait3A_82 = arith.constant 0 : i32
      %dma_wait3A_83 = arith.constant 0 : i32
      %dma_wait3A_84 = tpu.memref_slice %arg9[%rem3A_79, %dma_wait3A_82, %dma_wait3A_83] : memref<2x128x128xf32, #tpu.memory_space<vmem>> -> memref<1x128x128xf32, #tpu.memory_space<vmem>>
      %dma_wait3A_85 = tpu.memref_squeeze %dma_wait3A_84 : memref<1x128x128xf32, #tpu.memory_space<vmem>> -> memref<128x128xf32, #tpu.memory_space<vmem>>
      %dma_wait3A_86 = tpu.memref_slice %arg7[%mul3A_81] : memref<10112xi32, #tpu.memory_space<vmem>> -> memref<128xi32, #tpu.memory_space<vmem>>
      %dma_wait3A_87 = arith.constant 0 : i32
      %dma_wait3A_88 = arith.constant 0 : i32
      %dma_wait3A_89 = tpu.memref_slice %arg2[%dma_wait3A_87, %dma_wait3A_88] : memref<10000x128xf32, #tpu.memory_space<hbm>> -> memref<10000x128xf32, #tpu.memory_space<hbm>>
      %dma_wait3A_90 = tpu.memref_slice %arg11[%rem3A_79] : memref<2x!tpu.dma_semaphore, #tpu.memory_space<semaphore_mem>> -> memref<1x!tpu.dma_semaphore, #tpu.memory_space<semaphore_mem>>
      %dma_wait3A_91 = tpu.memref_squeeze %dma_wait3A_90 : memref<1x!tpu.dma_semaphore, #tpu.memory_space<semaphore_mem>> -> memref<!tpu.dma_semaphore, #tpu.memory_space<semaphore_mem>>
      tpu.wait_indirect_dma semaphore(%dma_wait3A_91 : memref<!tpu.dma_semaphore, #tpu.memory_space<semaphore_mem>>) src(%dma_wait3A_89 : memref<10000x128xf32, #tpu.memory_space<hbm>>) dst(%dma_wait3A_85 : memref<128x128xf32, #tpu.memory_space<vmem>>)
      %add3A_92 = arith.addi %add3A_6, %while3A_69 : i32
      %mul3A_93 = arith.constant 128 : i32
      %mul3A_94 = arith.muli %add3A_92, %mul3A_93 : i32
      %dma_wait3A_95 = arith.constant 0 : i32
      %dma_wait3A_96 = tpu.memref_slice %arg8[%rem3A_79, %dma_wait3A_95] : memref<2x128xi32, #tpu.memory_space<vmem>> -> memref<1x128xi32, #tpu.memory_space<vmem>>
      %dma_wait3A_97 = tpu.memref_squeeze %dma_wait3A_96 : memref<1x128xi32, #tpu.memory_space<vmem>> -> memref<128xi32, #tpu.memory_space<vmem>>
      %dma_wait3A_98 = tpu.memref_slice %arg4[%mul3A_94] : memref<320000xi32, #tpu.memory_space<hbm>> -> memref<128xi32, #tpu.memory_space<hbm>>
      %dma_wait3A_99 = tpu.memref_slice %arg12[%rem3A_79] : memref<2x!tpu.dma_semaphore, #tpu.memory_space<semaphore_mem>> -> memref<1x!tpu.dma_semaphore, #tpu.memory_space<semaphore_mem>>
      %dma_wait3A_100 = tpu.memref_squeeze %dma_wait3A_99 : memref<1x!tpu.dma_semaphore, #tpu.memory_space<semaphore_mem>> -> memref<!tpu.dma_semaphore, #tpu.memory_space<semaphore_mem>>
      %dma_wait3A_101 = arith.constant 0 : i32
      %dma_wait3A_102 = tpu.memref_slice %arg8[%rem3A_79, %dma_wait3A_101] : memref<2x128xi32, #tpu.memory_space<vmem>> -> memref<1x128xi32, #tpu.memory_space<vmem>>
      %dma_wait3A_103 = tpu.memref_squeeze %dma_wait3A_102 : memref<1x128xi32, #tpu.memory_space<vmem>> -> memref<128xi32, #tpu.memory_space<vmem>>
      %dma_wait3A_104 = tpu.memref_slice %arg4[%mul3A_94] : memref<320000xi32, #tpu.memory_space<hbm>> -> memref<128xi32, #tpu.memory_space<hbm>>
      tpu.wait_dma2 semaphore(%dma_wait3A_100 : memref<!tpu.dma_semaphore, #tpu.memory_space<semaphore_mem>>) src(%dma_wait3A_104 : memref<128xi32, #tpu.memory_space<hbm>>) dst(%dma_wait3A_103 : memref<128xi32, #tpu.memory_space<vmem>>)
      "tpu.region"() ({
        %run_scoped3A = tpu.sem_alloc : memref<!tpu.dma_semaphore, #tpu.memory_space<semaphore_mem>>
        %dma_start3A_105 = arith.constant 0 : i32
        %dma_start3A_106 = arith.constant 0 : i32
        %dma_start3A_107 = tpu.memref_slice %arg9[%rem3A_71, %dma_start3A_105, %dma_start3A_106] : memref<2x128x128xf32, #tpu.memory_space<vmem>> -> memref<1x128x128xf32, #tpu.memory_space<vmem>>
        %dma_start3A_108 = tpu.memref_squeeze %dma_start3A_107 : memref<1x128x128xf32, #tpu.memory_space<vmem>> -> memref<128x128xf32, #tpu.memory_space<vmem>>
        %dma_start3A_109 = arith.constant 0 : i32
        %dma_start3A_110 = tpu.memref_slice %arg8[%rem3A_71, %dma_start3A_109] : memref<2x128xi32, #tpu.memory_space<vmem>> -> memref<1x128xi32, #tpu.memory_space<vmem>>
        %dma_start3A_111 = tpu.memref_squeeze %dma_start3A_110 : memref<1x128xi32, #tpu.memory_space<vmem>> -> memref<128xi32, #tpu.memory_space<vmem>>
        %dma_start3A_112 = arith.constant 0 : i32
        %dma_start3A_113 = arith.constant 0 : i32
        %dma_start3A_114 = tpu.memref_slice %arg10[%dma_start3A_112, %dma_start3A_113] : memref<10000x128xf32, #tpu.memory_space<vmem_shared>> -> memref<10000x128xf32, #tpu.memory_space<vmem_shared>>
        tpu.enqueue_indirect_dma source(%dma_start3A_108 : memref<128x128xf32, #tpu.memory_space<vmem>>) target(%dma_start3A_114 : memref<10000x128xf32, #tpu.memory_space<vmem_shared>>) offsets(%dma_start3A_111 : memref<128xi32, #tpu.memory_space<vmem>>) semaphore(%run_scoped3A : memref<!tpu.dma_semaphore, #tpu.memory_space<semaphore_mem>>) {add = true}
        %dma_wait3A_115 = arith.constant 0 : i32
        %dma_wait3A_116 = arith.constant 0 : i32
        %dma_wait3A_117 = tpu.memref_slice %arg9[%rem3A_71, %dma_wait3A_115, %dma_wait3A_116] : memref<2x128x128xf32, #tpu.memory_space<vmem>> -> memref<1x128x128xf32, #tpu.memory_space<vmem>>
        %dma_wait3A_118 = tpu.memref_squeeze %dma_wait3A_117 : memref<1x128x128xf32, #tpu.memory_space<vmem>> -> memref<128x128xf32, #tpu.memory_space<vmem>>
        %dma_wait3A_119 = arith.constant 0 : i32
        %dma_wait3A_120 = tpu.memref_slice %arg8[%rem3A_71, %dma_wait3A_119] : memref<2x128xi32, #tpu.memory_space<vmem>> -> memref<1x128xi32, #tpu.memory_space<vmem>>
        %dma_wait3A_121 = tpu.memref_squeeze %dma_wait3A_120 : memref<1x128xi32, #tpu.memory_space<vmem>> -> memref<128xi32, #tpu.memory_space<vmem>>
        %dma_wait3A_122 = arith.constant 0 : i32
        %dma_wait3A_123 = arith.constant 0 : i32
        %dma_wait3A_124 = tpu.memref_slice %arg10[%dma_wait3A_122, %dma_wait3A_123] : memref<10000x128xf32, #tpu.memory_space<vmem_shared>> -> memref<10000x128xf32, #tpu.memory_space<vmem_shared>>
        tpu.wait_indirect_dma semaphore(%run_scoped3A : memref<!tpu.dma_semaphore, #tpu.memory_space<semaphore_mem>>) src(%dma_wait3A_118 : memref<128x128xf32, #tpu.memory_space<vmem>>) dst(%dma_wait3A_124 : memref<10000x128xf32, #tpu.memory_space<vmem_shared>>)
        tpu.yield
      }) : () -> ()
    }
    %barrier3A_63 = arith.constant 0 : index
    tpu.barrier barrier_id(%barrier3A_63)
    "tpu.region"() ({
      %run_scoped3A = tpu.sem_alloc : memref<!tpu.dma_semaphore, #tpu.memory_space<semaphore_mem>>
      %dma_start3A_69 = arith.constant 0 : i32
      %dma_start3A_70 = tpu.memref_slice %arg6[%arg0, %mul3A_15, %dma_start3A_69] : memref<2x10000x128xf32, #tpu.memory_space<hbm>> -> memref<1x624x128xf32, #tpu.memory_space<hbm>>
      %dma_start3A_71 = tpu.memref_squeeze %dma_start3A_70 : memref<1x624x128xf32, #tpu.memory_space<hbm>> -> memref<624x128xf32, #tpu.memory_space<hbm>>
      %dma_start3A_72 = arith.constant 0 : i32
      %dma_start3A_73 = tpu.memref_slice %arg10[%mul3A_15, %dma_start3A_72] : memref<10000x128xf32, #tpu.memory_space<vmem_shared>> -> memref<624x128xf32, #tpu.memory_space<vmem_shared>>
      tpu.enqueue_dma source(%dma_start3A_73 : memref<624x128xf32, #tpu.memory_space<vmem_shared>>) target(%dma_start3A_71 : memref<624x128xf32, #tpu.memory_space<hbm>>) target_semaphore(%run_scoped3A : memref<!tpu.dma_semaphore, #tpu.memory_space<semaphore_mem>>)
      %dma_wait3A_74 = arith.constant 0 : i32
      %dma_wait3A_75 = tpu.memref_slice %arg6[%arg0, %mul3A_15, %dma_wait3A_74] : memref<2x10000x128xf32, #tpu.memory_space<hbm>> -> memref<1x624x128xf32, #tpu.memory_space<hbm>>
      %dma_wait3A_76 = tpu.memref_squeeze %dma_wait3A_75 : memref<1x624x128xf32, #tpu.memory_space<hbm>> -> memref<624x128xf32, #tpu.memory_space<hbm>>
      %dma_wait3A_77 = arith.constant 0 : i32
      %dma_wait3A_78 = tpu.memref_slice %arg10[%mul3A_15, %dma_wait3A_77] : memref<10000x128xf32, #tpu.memory_space<vmem_shared>> -> memref<624x128xf32, #tpu.memory_space<vmem_shared>>
      tpu.wait_dma2 semaphore(%run_scoped3A : memref<!tpu.dma_semaphore, #tpu.memory_space<semaphore_mem>>) src(%dma_wait3A_78 : memref<624x128xf32, #tpu.memory_space<vmem_shared>>) dst(%dma_wait3A_76 : memref<624x128xf32, #tpu.memory_space<hbm>>)
      tpu.yield
    }) : () -> ()
    %eq3A_64 = arith.constant 15 : i32
    %eq3A_65 = arith.cmpi eq, %arg1, %eq3A_64 : i32
    %convert_element_type3A_66 = arith.extui %eq3A_65 : i1 to i32
    %cond3A_67 = arith.constant 0 : i32
    %cond3A_68 = arith.cmpi ne, %convert_element_type3A_66, %cond3A_67 : i32
    scf.if %cond3A_68 {
      "tpu.region"() ({
        %run_scoped3A = tpu.sem_alloc : memref<!tpu.dma_semaphore, #tpu.memory_space<semaphore_mem>>
        %dma_start3A_69 = arith.constant 9984 : i32
        %dma_start3A_70 = arith.constant 0 : i32
        %dma_start3A_71 = tpu.memref_slice %arg6[%arg0, %dma_start3A_69, %dma_start3A_70] : memref<2x10000x128xf32, #tpu.memory_space<hbm>> -> memref<1x16x128xf32, #tpu.memory_space<hbm>>
        %dma_start3A_72 = tpu.memref_squeeze %dma_start3A_71 : memref<1x16x128xf32, #tpu.memory_space<hbm>> -> memref<16x128xf32, #tpu.memory_space<hbm>>
        %dma_start3A_73 = arith.constant 9984 : i32
        %dma_start3A_74 = arith.constant 0 : i32
        %dma_start3A_75 = tpu.memref_slice %arg10[%dma_start3A_73, %dma_start3A_74] : memref<10000x128xf32, #tpu.memory_space<vmem_shared>> -> memref<16x128xf32, #tpu.memory_space<vmem_shared>>
        tpu.enqueue_dma source(%dma_start3A_75 : memref<16x128xf32, #tpu.memory_space<vmem_shared>>) target(%dma_start3A_72 : memref<16x128xf32, #tpu.memory_space<hbm>>) target_semaphore(%run_scoped3A : memref<!tpu.dma_semaphore, #tpu.memory_space<semaphore_mem>>)
        %dma_wait3A_76 = arith.constant 9984 : i32
        %dma_wait3A_77 = arith.constant 0 : i32
        %dma_wait3A_78 = tpu.memref_slice %arg6[%arg0, %dma_wait3A_76, %dma_wait3A_77] : memref<2x10000x128xf32, #tpu.memory_space<hbm>> -> memref<1x16x128xf32, #tpu.memory_space<hbm>>
        %dma_wait3A_79 = tpu.memref_squeeze %dma_wait3A_78 : memref<1x16x128xf32, #tpu.memory_space<hbm>> -> memref<16x128xf32, #tpu.memory_space<hbm>>
        %dma_wait3A_80 = arith.constant 9984 : i32
        %dma_wait3A_81 = arith.constant 0 : i32
        %dma_wait3A_82 = tpu.memref_slice %arg10[%dma_wait3A_80, %dma_wait3A_81] : memref<10000x128xf32, #tpu.memory_space<vmem_shared>> -> memref<16x128xf32, #tpu.memory_space<vmem_shared>>
        tpu.wait_dma2 semaphore(%run_scoped3A : memref<!tpu.dma_semaphore, #tpu.memory_space<semaphore_mem>>) src(%dma_wait3A_82 : memref<16x128xf32, #tpu.memory_space<vmem_shared>>) dst(%dma_wait3A_79 : memref<16x128xf32, #tpu.memory_space<hbm>>)
        tpu.yield
      }) : () -> ()
    } else {
    }
    return
  }
}

</mosaic_0001>

<sc_bundles>
// kernel: _sc_aggregate.3.cloned.1.call-start
scs
__scs_entry_jumppad:
0x0: {  	(pc) =	sbr.rel $0x88, $3  }
0x1: {  	(tag) =	ssettag $0x0;
	lr =	simm.s32 $0x1  }
0x2: {  	[smem:$0x3F9D] =	sst lr;
	_ =	strace $0xD0000000  }
0x3: {  	_ = 	snop  }
0x4: {  	_ = 	snop  }
0x5: {  	_ = 	snop  }
0x6: {  	_ = 	snop  }
0x7: {  	_ = 	snop  }
__scs_overlays_trampoline_lowered:
0x8: {  	[smem:$0x3FAC] =	sst s0  }
0x9: {  	[smem:$0x3FAD] =	sst s1  }
0xa: {  	[smem:$0x3FAE] =	sst s2  }
0xb: {  	[smem:$0x3FAF] =	sst s3  }
0xc: {  	[smem:$0x3FB0] =	sst s4  }
0xd: {  	[smem:$0x3FB1] =	sst s5  }
0xe: {  	[smem:$0x3FB2] =	sst s6  }
0xf: {  	[smem:$0x3FB3] =	sst s7  }
0x10: {  	[smem:$0x3FB4] =	sst s8  }
0x11: {  	[smem:$0x3FB5] =	sst s9;
	s0 =	simm.s32 @!p0 $0x0  }
0x12: {  	s1 =	sld [smem:$0x3F9B];
	s0 =	simm.s32 @p0 $0x1  }
0x13: {  	[smem:$0x3FB6] =	sst s0;
	s0 =	simm.s32 @!p1 $0x0  }
0x14: {  	s2 =	sld [smem:$0x3F9A];
	s0 =	simm.s32 @p1 $0x1  }
0x15: {  	[smem:$0x3FB7] =	sst s0;
	s0 =	simm.s32 @!p2 $0x0  }
0x16: {  	s3 =	sld [smem:$0x3FDB];
	s0 =	simm.s32 @p2 $0x1  }
0x17: {  	s4 =	simm.s32 $0x1BF5;
	[smem:$0x3FB9] =	sst s0  }
0x18: {  	s0 =	sld [smem:$0x3F9C];
	_ =	swait.ge [sflag:s4], $0x0  }
0x19: {  	s7 =	sld [smem:$0x3F9D]  }
0x1a: {  	s8 =	sadd.s32 $0xFFFFE003, lr  }
0x1b: {  	s9 =	sadd.s32 $0xFFFFFEF7, lr;
	s5 =	simm.s32 $0xFFFFFFFF;
	p2 =	slt.u32 s8, $0xFFFFF086  }
0x1c: {  	p1 =	slt.u32 s9, $0xF7A;
	s5 =	simm.s32 @!p2 $0x0  }
0x1d: {  	s5 =	simm.s32 @p1 $0x1;
	p0 =	seq.s32 s7, s2  }
0x1e: {  	s7 =	smul.u32 @!p0 $0xF7A, s2;
	p2 =	seq.s32 @!p0 s5, $0x0  }
0x1f: {  	s9 =	smul.u32 $0xF7A, s1;
	s8 =	simm.s32 @!p0 $0x1BF5;
	p2 =	por !p2, p0  }
0x20: {  	[sflag:s8] =	ssyncset.s32 @!p0 $0xFFFFF086;
	s6 =	sadd.s32 @!p0 s3, s7;
	s7 =	simm.s32 @!p0 $0x108  }
0x21: {  	s3 =	sadd.s32 s3, s9;
	s6 =	sadd.s32 @!p0 $0x88, s6;
	s7 =	simm.s32 @p2 $0x1082  }
0x22: {  	[simem:s7], [sflag:s8] =	dma.local @!p0 [hbm:s6], $0xF7A  }
0x23: {  	s9 =	sor.u32 $0xD0000000, s2;
	s6 =	simm.s32 $0x108;
	_ =	swait.ge @!p0 [sflag:s8], $0x0  }
0x24: {  	s3 =	sadd.s32 $0x88, s3;
	s6 =	simm.s32 @!p1 $0x1082;
	[sflag:s4] =	ssyncset.s32 $0xFFFFF086  }
0x25: {  	[simem:s6], [sflag:s4] =	dma.local [hbm:s3], $0xF7A  }
0x26: {  	[smem:$0x3F9D] =	sst s1;
	(tag) =	ssettag s2;
	_ =	strace s9  }
0x27: {  	s1 =	sld [smem:$0x3FAD]  }
0x28: {  	s2 =	sld [smem:$0x3FAE]  }
0x29: {  	s4 =	sld [smem:$0x3FB0]  }
0x2a: {  	p0 =	seq.s32 s5, $0x0;
	s5 =	sld [smem:$0x3FB1]  }
0x2b: {  	s6 =	sld [smem:$0x3FB2]  }
0x2c: {  	s7 =	sld [smem:$0x3FB3]  }
0x2d: {  	s3 =	simm.s32 $0x108;
	s8 =	sld [smem:$0x3FB4]  }
0x2e: {  	s3 =	simm.s32 @!p0 $0x1082;
	s9 =	sld [smem:$0x3FB5]  }
0x2f: {  	lr =	sadd.s32 s0, s3;
	s0 =	sld [smem:$0x3FAC]  }
0x30: {  	s3 =	sld [smem:$0x3FAF]  }
0x31: {  	[smem:$0x3FB8] =	sst s10  }
0x32: {  	s10 =	sld [smem:$0x3FB6];
	_ =	sdelay $0x3  }
0x33: {  	p0 =	seq.s32 s10, $0x1;
	s10 =	sld [smem:$0x3FB8];
	_ =	sdelay $0x3  }
0x34: {  	[smem:$0x3FB8] =	sst s10  }
0x35: {  	s10 =	sld [smem:$0x3FB7];
	_ =	sdelay $0x3  }
0x36: {  	p1 =	seq.s32 s10, $0x1;
	s10 =	sld [smem:$0x3FB8];
	_ =	sdelay $0x3  }
0x37: {  	[smem:$0x3FB8] =	sst s10  }
0x38: {  	s10 =	sld [smem:$0x3FB9]  }
0x39: {  	_ = 	snop;
	(pc) =	sbr.ind lr, $3  }
0x3a: {  	_ = 	snop  }
0x3b: {  	_ = 	snop  }
0x3c: {  	p2 =	seq.s32 s10, $0x1;
	s10 =	sld [smem:$0x3FB8]  }
0x3d: {  	_ =	shalt  }
0x3e: {  	_ =	shalt  }
0x3f: {  	_ =	shalt  }
0x40: {  	_ =	shalt  }
0x41: {  	_ =	shalt  }
0x42: {  	_ =	shalt  }
0x43: {  	_ =	shalt  }
0x44: {  	_ =	shalt  }
0x45: {  	_ =	shalt  }
0x46: {  	_ =	shalt  }
0x47: {  	_ =	shalt  }
0x48: {  	_ =	shalt  }
0x49: {  	_ =	shalt  }
0x4a: {  	_ =	shalt  }
0x4b: {  	_ =	shalt  }
0x4c: {  	_ =	shalt  }
0x4d: {  	_ =	shalt  }
0x4e: {  	_ =	shalt  }
0x4f: {  	_ =	shalt  }
0x50: {  	_ =	shalt  }
0x51: {  	_ =	shalt  }
0x52: {  	_ =	shalt  }
0x53: {  	_ =	shalt  }
0x54: {  	_ =	shalt  }
0x55: {  	_ =	shalt  }
0x56: {  	_ =	shalt  }
0x57: {  	_ =	shalt  }
0x58: {  	_ =	shalt  }
0x59: {  	_ =	shalt  }
0x5a: {  	_ =	shalt  }
0x5b: {  	_ =	shalt  }
0x5c: {  	_ =	shalt  }
0x5d: {  	_ =	shalt  }
0x5e: {  	_ =	shalt  }
0x5f: {  	_ =	shalt  }
0x60: {  	_ =	shalt  }
0x61: {  	_ =	shalt  }
0x62: {  	_ =	shalt  }
0x63: {  	_ =	shalt  }
0x64: {  	_ =	shalt  }
0x65: {  	_ =	shalt  }
0x66: {  	_ =	shalt  }
0x67: {  	_ =	shalt  }
0x68: {  	_ =	shalt  }
0x69: {  	_ =	shalt  }
0x6a: {  	_ =	shalt  }
0x6b: {  	_ =	shalt  }
0x6c: {  	_ =	shalt  }
0x6d: {  	_ =	shalt  }
0x6e: {  	_ =	shalt  }
0x6f: {  	_ =	shalt  }
0x70: {  	_ =	shalt  }
0x71: {  	_ =	shalt  }
0x72: {  	_ =	shalt  }
0x73: {  	_ =	shalt  }
0x74: {  	_ =	shalt  }
0x75: {  	_ =	shalt  }
0x76: {  	_ =	shalt  }
0x77: {  	_ =	shalt  }
0x78: {  	_ =	shalt  }
0x79: {  	_ =	shalt  }
0x7a: {  	_ =	shalt  }
0x7b: {  	_ =	shalt  }
0x7c: {  	_ =	shalt  }
0x7d: {  	_ =	shalt  }
0x7e: {  	_ =	shalt  }
0x7f: {  	_ =	shalt  }
0x80: {  	_ =	shalt  }
0x81: {  	_ =	shalt  }
0x82: {  	_ =	shalt  }
0x83: {  	_ =	shalt  }
0x84: {  	_ =	shalt  }
0x85: {  	_ =	shalt  }
0x86: {  	_ =	shalt  }
0x87: {  	_ =	shalt  }
.Lfunc_end0:
.L_simem_size_0:
called_computation_lowered:
.L_overlay_start_0:
0x88: {  	s2 =	sld [smem:$0x3FD9]  }
0x89: {  	s3 =	sld [smem:$0x3FFE];
	_ =	sdelay $0x1  }
0x8a: {  	s1 =	srdreg.scid  }
0x8b: {  	s0 =	sand.u32 $0x1, s1  }
0x8c: {  	s18 =	sshll.u32 s0, $0xA;
	s2 =	sadd.s32 s3, s2  }
0x8d: {  	s2 =	sadd.s32 s2, s18  }
0x8e: {  	[smem:$0x3FC4] =	sst s2  }
0x8f: {  	_ = 	snop  }
0x90: {  	s2 =	sld [smem:$0x3FC9]  }
0x91: {  	s19 =	sld [smem:$0x3FC8]  }
0x92: {  	s4 =	sld [smem:$0x3FC7]  }
0x93: {  	s5 =	sld [smem:$0x3FC6]  }
0x94: {  	s6 =	sld [smem:$0x3FD0];
	(tm) =	ssettm $0x1  }
0x95: {  	s7 =	sld [smem:$0x3FFB];
	_ =	sdelay $0x3  }
0x96: {  	_ =	strace s7  }
0x97: {  	s7 =	sld [smem:$0x3FFC];
	_ =	sdelay $0x3  }
0x98: {  	_ =	strace s7  }
0x99: {  	s7 =	sld [smem:$0x3FFD];
	_ =	sdelay $0x3  }
0x9a: {  	_ =	strace s7  }
0x9b: {  	_ =	strace $0x8FFFFFFF  }
0x9c: {  	s20 =	sld [smem:$0x3FDB];
	_ =	sdelay $0x1  }
0x9d: {  	s8 =	simm.s32 $_scs_section_size  }
0x9e: {  	s9 =	simm.s32 $_size__tile_overlayer_lowered;
	s10 =	simm.s32 $_tile_overlayer_lowered  }
0x9f: {  	s23 =	simm.s32 $0x1BFF;
	s22 =	sshll.u32 s10, $0x1;
	s7 =	sadd.s32 s8, s20  }
0xa0: {  	s11 =	simm.s32 $0x0;
	s21 =	sshll.u32 s9, $0x1;
	s9 =	sadd.s32 s22, s7  }
0xa1: {  	[timem:s11], [sflag:s23] =	dma.local [hbm:s9], s21  }
0xa2: {  	_ =	swait.ge [sflag:s23], s21  }
0xa3: {  	s8 =	ssub.s32 $0x0, s21;
	[sflag:s23] =	ssyncset.done $0x0  }
0xa4: {  	[sflag:s23] =	ssyncadd.s32 s8;
	_ =	sdelay $0x1  }
0xa5: {  	s24 =	simm.s32 $0x1B8B  }
0xa6: {  	_ =	swait.ge [sflag:s24], $0x1  }
0xa7: {  	[sflag:s24] =	ssyncset.done $0x0  }
0xa8: {  	s25 =	simm.s32 $0x1B8E;
	[sflag:s24] =	ssyncadd.s32 $0xFFFFFFFF  }
0xa9: {  	s26 =	simm.s32 $execute0_lowered;
	[smem:$0x3FD2] =	sst s25  }
0xaa: {  	s8 =	sshll.u32 s26, $0x1;
	_ =	strace $0x80000046;
	[dreg:$0x1] =	wrdreg $0xFFFFFFFF  }
0xab: {  	s28 =	simm.s32 $_size_execute0_lowered;
	s7 =	sadd.s32 s7, s8;
	[dreg:$0x0] =	wrdreg $0x0  }
0xac: {  	s8 =	sshll.u32 s28, $0x1;
	[dreg:$0x2] =	wrdreg s7  }
0xad: {  	[dreg:$0x3] =	wrdreg s8  }
0xae: {  	[dreg:$0x4] =	wrdreg $0xC0  }
0xaf: {  	_ =	task [dreg:s11], $0x5FFFF  }
0xb0: {  	[dreg:$0x1] =	wrdreg $0xFFFFFFFF  }
0xb1: {  	[dreg:$0x0] =	wrdreg $0x60  }
0xb2: {  	[dreg:$0x2] =	wrdreg s2  }
0xb3: {  	[dreg:$0x3] =	wrdreg s19  }
0xb4: {  	[dreg:$0x4] =	wrdreg s4  }
0xb5: {  	[dreg:$0x5] =	wrdreg s5  }
0xb6: {  	[dreg:$0x6] =	wrdreg s6  }
0xb7: {  	[dreg:$0x7] =	wrdreg $0xA8800  }
0xb8: {  	[dreg:$0x8] =	wrdreg $0x9  }
0xb9: {  	_ =	task.clear_ibuf [dreg:s11], $0x9FFFF;
	_ =	strace $0x90000046  }
0xba: {  	s29 =	simm.s32 $0x9;
	_ =	strace $0x80000048  }
0xbb: {  	_ =	swait.ge [sflag:s29], $0x1  }
0xbc: {  	[sflag:s29] =	ssyncadd.s32 $0xFFFFFFFF  }
0xbd: {  	_ =	strace $0x90000048  }
0xbe: {  	_ =	sfence  }
0xbf: {  	s30 =	sld [smem:$0x0];
	_ =	sdelay $0x2  }
0xc0: {  	s31 =	sshll.u32 s1, $0xD;
	s1 =	sshrl.u32 s1, $0x2  }
0xc1: {  	s3 =	sand.u32 $0x4000, s31;
	s1 =	sadd.s32 s1, s30  }
0xc2: {  	s0 =	sor.u32 s3, s0;
	s1 =	sshll.u32 s1, $0x11  }
0xc3: {  	s0 =	sor.u32 s1, s0  }
0xc4: {  	s0 =	sadd.s32 $0x8F2B, s0  }
0xc5: {  	[sflag:s0] =	ssyncadd.remote.s32 $0x1  }
0xc6: {  	_ =	sfence.sel $0xFFFF  }
0xc7: {  	[dreg:$0x0] =	wrdreg $0xFFFFFFFF;
	(pc) =	sbr.abs _section_cstart, $3  }
0xc8: {  	[dreg:$0x1] =	wrdreg $0xFFFFFFFF  }
0xc9: {  	_ =	task.clear_ibuf [dreg:s11], $0x2FFFF;
	_ =	strace $0x9FFFFFFF  }
0xca: {  	(tm) =	ssettm $0x7FFFFFFF  }
0xcb: {  	_ =	shalt  }
tec
execute0_lowered:
.L_overlay_start_1:
0x0: {  	(tag) =	ssettag $0x1  }
0x1: {  	s0 =	rddreg [dreg:$0x0]  }
0x2: {  	s1 =	rddreg [dreg:$0x1]  }
0x3: {  	s2 =	rddreg [dreg:$0x2]  }
0x4: {  	s9 =	rddreg [dreg:$0x3]  }
0x5: {  	s11 =	rddreg [dreg:$0x4]  }
0x6: {  	s4 =	srdreg.scid;
	s20 =	stileid.u32  }
0x7: {  	s3 =	rddreg [dreg:$0x5];
	s21 =	simm.s32 $0x80;
	s8 =	smul.u32 $0x4E000, s20  }
0x8: {  	s22 =	simm.s32 $0x0;
	s10 =	sand.u32 $0x1, s4;
	s15 =	smul.u32 $0x13800, s20  }
0x9: {  	s5 =	sshll.u32 s20, $0x1;
	s4 =	simm.s32 $0x0;
	s17 =	smul.u32 $0x9C, s20  }
0xa: {  	p0 =	slt.u32 s20, $0x2;
	s26 =	sshll.u32 s20, $0x6;
	s16 =	smul.u32 $0x138800, s10  }
0xb: {  	s19 =	sadd.s32 $0x138000, s3;
	s5 =	sor.u32 s10, s5;
	s18 =	smul.u32 $0x4E, s10  }
0xc: {  	[smem:$0x7FF] =	sst s4;
	s7 =	ssub.s32 $0x2, s10;
	s6 =	smul.u32 $0x4E, s5  }
0xd: {  	_ =	strace $0x80000047;
	s12 =	smin.u32 s5, $0x4;
	s23 =	sshrl.u32 s7, $0x1  }
0xe: {  	s24 =	sshrl.u32 s8, $0x2;
	s25 =	sshrl.u32 s15, $0x3;
	s13 =	ssub.s32 s7, s23  }
0xf: {  	s7 =	sor.u32 $0x1C06, s26;
	s28 =	sadd.s32 s15, s16;
	s29 =	sshrl.u32 s16, $0x3  }
0x10: {  	s30 =	sadd.s32 s18, s17;
	s17 =	simm.s32 $0x6;
	s6 =	sadd.s32 s12, s6  }
0x11: {  	s15 =	sadd.s32 s11, s29;
	s16 =	sadd.s32 s12, s30;
	s13 =	smax.u32 s13, $0x1  }
0x12: {  	s14 =	sshll.u32 s6, $0x4;
	s6 =	sadd.s32 s9, s25;
	s9 =	sadd.s32 $0x27000, s9  }
0x13: {  	s12 =	sadd.s32 $0x27000, s15;
	s31 =	sshll.u32 s16, $0x4;
	s5 =	sadd.s32 s1, s14  }
0x14: {  	s1 =	sadd.s32 s24, s3;
	s10 =	sadd.s32 s2, s14;
	s14 =	sshrl.u32 s28, $0x3  }
0x15: {  	[dreg:$0x7] =	wrdreg s6;
	s11 =	sadd.s32 s11, s14;
	s14 =	simm.s32 $0x4E  }
0x16: {  	s2 =	sadd.s32 s31, s2;
	s14 =	simm.s32 @!p0 $0x4D;
	p0 =	sne.s32 s20, $0xF  }
0x17: {  	s8 =	sadd.s32 $0x4E0, s5;
	s15 =	sadd.s32 $0x10, s2;
	p1 =	sgt.u32 @p0 s20, $0x1  }
0x18: {  	s16 =	sshrl.u32 s1, $0x3;
	s18 =	sshrl.u32 @!p0 s19, $0x3;
	p1 =	por p1, !p0  }
.LBB2_1:
0x19: {  	[tilespmem:s4], [sflag:$0x5] =	stream.linear.gather [hbm4b:s5+s4], $0x2700, $0x38;
	[tilespmem:$0x1E100] =	vst v63  }
0x1a: {  	s1 =	rddreg [dreg:$0x7]  }
0x1b: {  	[spmem:s16], [sflag:s7] =	dma.local [hbm:s1], $0x2700  }
0x1c: {  	_ =	swait.ge [sflag:s17], $0x2700  }
0x1d: {  	[sflag:s17] =	ssyncset.done $0x0  }
0x1e: {  	s1 =	simm.s32 @p0 $0x5;
	[sflag:s17] =	ssyncadd.s32 $0xFFFFD900  }
0x1f: {  	_ =	swait.ge @p0 [sflag:s1], $0x2700  }
0x20: {  	[sflag:s1] =	ssyncset.done @p0 $0x0  }
0x21: {  	s2 =	simm.s32 @!p1 $0x2700;
	[sflag:s1] =	ssyncadd.s32 @p0 $0xFFFFD900;
	s1 =	simm.s32 @!p1 $0x0  }
0x22: {  	[tilespmem:s2], [sflag:$0x6] =	stream.linear.gather @!p1 [hbm4b:s8+s1], $0x80, $0x38;
	[tilespmem:$0x1E100] =	vst v63  }
0x23: {  	s1 =	simm.s32 @!p1 $0x6  }
0x24: {  	_ =	swait.ge @!p1 [sflag:s1], $0x80  }
0x25: {  	[sflag:s1] =	ssyncset.done @!p1 $0x0  }
0x26: {  	s23 =	simm.s32 @!p0 $0x6;
	[sflag:s1] =	ssyncadd.s32 @!p1 $0xFFFFFF80  }
0x27: {  	[spmem:s18], [sflag:s7] =	dma.local @!p0 [hbm:s9], $0x100  }
0x28: {  	_ =	swait.ge @!p0 [sflag:s23], $0x100  }
0x29: {  	[sflag:s23] =	ssyncset.done @!p0 $0x0  }
0x2a: {  	s1 =	simm.s32 @!p0 $0x5;
	[sflag:s23] =	ssyncadd.s32 @!p0 $0xFFFFFF00  }
0x2b: {  	_ =	swait.ge @!p0 [sflag:s1], $0x2700  }
0x2c: {  	s24 =	simm.s32 $0x1;
	[sflag:s1] =	ssyncset.done @!p0 $0x0  }
0x2d: {  	s20 =	sand.u32 $0x1, s24;
	[sflag:s1] =	ssyncadd.s32 @!p0 $0xFFFFD900  }
0x2e: {  	s6 =	simm.s32 $0x2880;
	s26 =	sshll.u32 s20, $0xE;
	[bflag:$0x0] =	sbarrier.arrive $0xFFFF  }
0x2f: {  	[tilespmem:s6], [sflag:$0x1] =	stream.indirect.gather [hbm4b:s0+s21], $0x80, s4, s21, $0xb8;
	[tilespmem:$0x1E100] =	vst v63  }
0x30: {  	s19 =	simm.s32 $0x2780;
	p2 =	sne.s32 s14, $0x1;
	s25 =	sor.u32 $0x2880, s26  }
0x31: {  	[tilespmem:s19], [sflag:$0x3] =	stream.linear.gather [hbm4b:s10+s4], $0x80, $0x38;
	[tilespmem:$0x1E100] =	vst v63  }
0x32: {  	s26 =	sadd.s32 $0x1, s20;
	s6 =	sand.u32 $0x1, s4;
	s19 =	sshll.u32 s20, $0x7  }
0x33: {  	[tilespmem:s25], [sflag:s26] =	stream.indirect.gather [hbm4b:s0+s21], $0x80, s21, s21, $0xb8;
	[tilespmem:$0x1E100] =	vst v63  }
0x34: {  	s30 =	sadd.s32 $0x3, s20;
	s20 =	sadd.s32 $0x1, s6;
	s28 =	sadd.s32 $0x2780, s19  }
0x35: {  	[tilespmem:s28], [sflag:s30] =	stream.linear.gather [hbm4b:s15+s4], $0x80, $0x38;
	[tilespmem:$0x1E100] =	vst v63  }
.Ltmp0:
0x36: {  	_ =	swait.ge [sflag:s20], $0x4000;
	(pc) =	sbr.rel @!p2 .LBB2_3-.Ltmp0, $4  }
0x37: {  	s29 =	sshll.u32 s6, $0xE;
	[sflag:s20] =	ssyncset.done $0x0  }
0x38: {  	s31 =	sshll.u32 s6, $0x7;
	s19 =	sadd.s32 $0x3, s6;
	[sflag:s20] =	ssyncadd.s32 $0xFFFFC000  }
0x39: {  	s2 =	sor.u32 $0x2880, s29;
	s1 =	sadd.s32 $0x2780, s31;
	_ =	swait.ge [sflag:s19], $0x80  }
0x3a: {  	s29 =	smov.u32 s15;
	s31 =	simm.s32 $0x80;
	[sflag:s19] =	ssyncset.done $0x0  }
.LBB2_2:
0x3b: {  	[sflag:s19] =	ssyncadd.s32 $0xFFFFFF80  }
0x3c: {  	s29 =	sadd.s32 $0x10, s29;
	s19 =	smov.u32 s24;
	s24 =	sadd.s32 $0x1, s24  }
0x3d: {  	[spmem:s3] =	stream.indirect.scatter.add.f32 [tilespmem:s2], [sflag:$0x6], $0x80, s1, s21, $0xb8;
	[tilespmem:$0x1E100] =	vst v63  }
0x3e: {  	s31 =	sadd.s32 $0x80, s31;
	s1 =	sand.u32 $0x1, s24  }
0x3f: {  	s19 =	sand.u32 $0x1, s19;
	p2 =	sne.s32 s14, s24;
	_ =	swait.ge [sflag:s17], $0x4000  }
0x40: {  	s2 =	sshll.u32 s1, $0xE;
	s28 =	sshll.u32 s1, $0x7;
	[sflag:s17] =	ssyncset.done $0x0  }
0x41: {  	s26 =	sadd.s32 $0x1, s1;
	s25 =	sor.u32 $0x2880, s2;
	[sflag:s17] =	ssyncadd.s32 $0xFFFFC000  }
0x42: {  	[tilespmem:s25], [sflag:s26] =	stream.indirect.gather [hbm4b:s0+s21], $0x80, s31, s21, $0xb8;
	[tilespmem:$0x1E100] =	vst v63  }
0x43: {  	s30 =	sadd.s32 $0x3, s1;
	s1 =	sshll.u32 s19, $0xE;
	s28 =	sadd.s32 $0x2780, s28  }
0x44: {  	[tilespmem:s28], [sflag:s30] =	stream.linear.gather [hbm4b:s29+s4], $0x80, $0x38;
	[tilespmem:$0x1E100] =	vst v63  }
0x45: {  	s20 =	sadd.s32 $0x1, s19;
	s6 =	sshll.u32 s19, $0x7;
	s2 =	sor.u32 $0x2880, s1  }
.Ltmp1:
0x46: {  	s1 =	sadd.s32 $0x2780, s6;
	_ =	swait.ge [sflag:s20], $0x4000;
	(pc) =	sbr.rel @p2 .LBB2_2-.Ltmp1, $4  }
0x47: {  	[sflag:s20] =	ssyncset.done $0x0  }
0x48: {  	s19 =	sadd.s32 $0x3, s19;
	[sflag:s20] =	ssyncadd.s32 $0xFFFFC000  }
0x49: {  	_ =	swait.ge [sflag:s19], $0x80  }
0x4a: {  	[sflag:s19] =	ssyncset.done $0x0  }
.LBB2_3:
0x4b: {  	[sflag:s19] =	ssyncadd.s32 $0xFFFFFF80  }
0x4c: {  	[spmem:s3] =	stream.indirect.scatter.add.f32 [tilespmem:s2], [sflag:$0x6], $0x80, s1, s21, $0xb8;
	[tilespmem:$0x1E100] =	vst v63  }
0x4d: {  	_ =	swait.ge [sflag:s17], $0x4000  }
0x4e: {  	[sflag:s17] =	ssyncset.done $0x0  }
0x4f: {  	[sflag:s17] =	ssyncadd.s32 $0xFFFFC000  }
0x50: {  	_ =	swait.ge [sflag:s26], $0x4000  }
0x51: {  	[sflag:s26] =	ssyncset.done $0x0  }
0x52: {  	[sflag:s26] =	ssyncadd.s32 $0xFFFFC000  }
0x53: {  	_ =	swait.ge [sflag:s30], $0x80  }
0x54: {  	[sflag:s30] =	ssyncset.done $0x0  }
0x55: {  	[sflag:s30] =	ssyncadd.s32 $0xFFFFFF80  }
0x56: {  	[spmem:s3] =	stream.indirect.scatter.add.f32 [tilespmem:s25], [sflag:$0x6], $0x80, s28, s21, $0xb8;
	[tilespmem:$0x1E100] =	vst v63  }
0x57: {  	_ =	swait.ge [sflag:s17], $0x4000  }
0x58: {  	[sflag:s17] =	ssyncset.done $0x0  }
0x59: {  	[sflag:s17] =	ssyncadd.s32 $0xFFFFC000  }
0x5a: {  	[bflag:$0x0] =	sbarrier.arrive $0xFFFF  }
0x5b: {  	[hbm:s11], [sflag:s7] =	dma.local [spmem:s16], $0x2700  }
0x5c: {  	s22 =	sadd.s32 $0x1, s22;
	_ =	swait.ge [sflag:s17], $0x2700  }
0x5d: {  	p2 =	sne.s32 s22, s13;
	[sflag:s17] =	ssyncset.done $0x0  }
.Ltmp2:
0x5e: {  	[sflag:s17] =	ssyncadd.s32 $0xFFFFD900;
	(pc) =	sbr.rel @p2 .LBB2_1-.Ltmp2, $4  }
0x5f: {  	[hbm:s12], [sflag:s7] =	dma.local @!p0 [spmem:s18], $0x100  }
0x60: {  	_ =	swait.ge @!p0 [sflag:s23], $0x100  }
0x61: {  	[sflag:s23] =	ssyncset.done @!p0 $0x0  }
0x62: {  	[sflag:s23] =	ssyncadd.s32 @!p0 $0xFFFFFF00  }
0x63: {  	_ =	sfence.sel $0x180000  }
0x64: {  	[bflag:$0x0] =	sbarrier.arrive $0xFFFF  }
0x65: {  	_ =	strace $0x90000047  }
0x66: {  	s0 =	stileid.u32;
	[bflag:$0x2] =	sbarrier.arrive $0xFFFF  }
0x67: {  	p0 =	sne.s32 s0, $0x0;
	s0 =	rddreg [dreg:$0x6]  }
0x68: {  	s0 =	sadd.s32 @!p0 $0x100000, s0  }
0x69: {  	[sflag:s0] =	ssyncadd.tile.s32 @!p0 $0x1;
	_ =	shalt  }
.Lfunc_end2:
_tile_overlayer_lowered:
.L_overlay_start_2:
0x6a: {  	(tag) =	ssettag $0x2  }
0x6b: {  	s0 =	rddreg [dreg:$0x0];
	s2 =	stileid.u32  }
0x6c: {  	s1 =	rddreg [dreg:$0x1];
	p0 =	sne.s32 s2, $0x0  }
0x6d: {  	s3 =	rddreg [dreg:$0x2];
	[bflag:$0x3] =	sbarrier.arrive $0xFFFF;
	s2 =	simm.s32 @!p0 $0x1C06  }
0x6e: {  	[timem:s3], [sflag:s2] =	dma.local @!p0 [hbm:s0], s1  }
0x6f: {  	s0 =	simm.s32 @!p0 $0x6  }
0x70: {  	_ =	swait.ge @!p0 [sflag:s0], s1  }
0x71: {  	s1 =	ssub.s32 @!p0 $0x0, s1;
	[sflag:s0] =	ssyncset.done @!p0 $0x0  }
0x72: {  	[sflag:s0] =	ssyncadd.s32 @!p0 s1  }
0x73: {  	[bflag:$0x3] =	sbarrier.arrive $0xFFFF  }
0x74: {  	_ =	shalt  }

</sc_bundles>
